<compile_context>
chip_gen: v7x
topology: tpu7x:2x2x1
jax: 0.10.2.dev20260603
libtpu: 0.0.44.dev20260713+nightly
codegen_flags: <defaults>
</compile_context>

<pallas_src>
import functools
import math

import jax
import jax.numpy as jnp
from jax import lax
from jax.experimental import pallas as pl
from jax.experimental.pallas import tpu as pltpu
from jax.experimental.pallas import tpu_sc as plsc

E = 16
K = 8
H = 1024
I = 4096
B = 16
IC = 1024
NC = I // IC

_SQRT_HALF = math.sqrt(0.5)


def _make_router():
    mesh = plsc.VectorSubcoreMesh(core_axis_name="c", subcore_axis_name="s", num_cores=1, num_subcores=2)

    @functools.partial(
        pl.kernel,
        mesh=mesh,
        out_type=jax.ShapeDtypeStruct((B, E), jnp.float32),
        compiler_params=pltpu.CompilerParams(needs_layout_passes=False),
        scratch_types=[
            pltpu.VMEM((H,), jnp.float32),
            pltpu.VMEM((H * E,), jnp.float32),
            pltpu.VMEM((E,), jnp.float32),
            pltpu.VMEM((E,), jnp.float32),
            pltpu.SemaphoreType.DMA,
        ],
    )
    def router(x_hbm, wr_hbm, br_hbm, out_hbm, x_v, wr_v, br_v, row_v, sem):
        wid = lax.axis_index("s")

        @pl.when(wid < B)
        def _():
            b = wid
            pltpu.sync_copy(br_hbm, br_v)
            row_v[...] = br_v[...]
            pltpu.sync_copy(row_v, out_hbm.at[b])

    return router


_router_cache = []


def _get_router():
    if not _router_cache:
        _router_cache.append(_make_router())
    return _router_cache[0]


def _moe_body(x_ref, comb_ref, w1_ref, b1_ref, w2_ref, b2_ref, out_ref):
    e = pl.program_id(0)
    c = pl.program_id(1)

    x = x_ref[...]
    h = jnp.dot(x, w1_ref[0], preferred_element_type=jnp.float32) + b1_ref[0]
    g = h * 0.5 * (1.0 + jax.lax.erf(h * _SQRT_HALF))
    p = jnp.dot(g, w2_ref[0], preferred_element_type=jnp.float32)

    lane = jax.lax.broadcasted_iota(jnp.int32, (B, E), 1)
    col = jnp.sum(jnp.where(lane == e, comb_ref[...], 0.0), axis=1,
                  keepdims=True)

    bterm = jnp.where(c == 0, b2_ref[0], 0.0)
    contrib = col * (p + bterm)
    out_ref[...] = jnp.where((e == 0) & (c == 0), 0.0, out_ref[...]) + contrib


@jax.jit
def kernel(hidden_states, W1, b1, W2, b2, Wr, br):
    Bt, S, _ = hidden_states.shape
    x = hidden_states.reshape(Bt * S, H)
    b1r = b1.reshape(E, 1, I)
    b2r = b2.reshape(E, 1, H)

    comb = _get_router()(x, Wr.reshape(-1), br)

    out = pl.pallas_call(
        _moe_body,
        grid=(E, NC),
        in_specs=[
            pl.BlockSpec((B, H), lambda e, c: (0, 0)),
            pl.BlockSpec((B, E), lambda e, c: (0, 0)),
            pl.BlockSpec((1, H, IC), lambda e, c: (e, 0, c)),
            pl.BlockSpec((1, 1, IC), lambda e, c: (e, 0, c)),
            pl.BlockSpec((1, IC, H), lambda e, c: (e, c, 0)),
            pl.BlockSpec((1, 1, H), lambda e, c: (e, 0, 0)),
        ],
        out_specs=pl.BlockSpec((B, H), lambda e, c: (0, 0)),
        out_shape=jax.ShapeDtypeStruct((B, H), jnp.float32),
    )(x, comb, W1, b1r, W2, b2r)

    return out.reshape(Bt, S, H)

# --- scband reference (transcript-rebuilt; emitter-appended) ---
"""Pipeline reference for scband-deep-seek-mo-e-82068235092053 (READ-ONLY COPY).

The authoritative reference and input builder live on the scoring server;
editing this copy changes nothing except your own understanding.
"""

import jax, jax.numpy as jnp
import numpy as np

E = 16  # num_experts
K = 8   # num_activated_experts
H = 1024  # hidden_size
I = 4096  # intermediate_size
B = 16
S = 1


def setup_inputs(seed: int = 0) -> dict:
    key = jax.random.key(seed)
    ks = jax.random.split(key, 8)
    sc1 = 1.0 / np.sqrt(H)
    sc2 = 1.0 / np.sqrt(I)
    return {
        "hidden_states": jax.random.normal(ks[0], (B, S, H), dtype=jnp.float32),
        "W1": jax.random.uniform(ks[1], (E, H, I), minval=-sc1, maxval=sc1, dtype=jnp.float32),
        "b1": jax.random.uniform(ks[2], (E, I), minval=-sc1, maxval=sc1, dtype=jnp.float32),
        "W2": jax.random.uniform(ks[3], (E, I, H), minval=-sc2, maxval=sc2, dtype=jnp.float32),
        "b2": jax.random.uniform(ks[4], (E, H), minval=-sc2, maxval=sc2, dtype=jnp.float32),
        "Wr": jax.random.uniform(ks[5], (H, E), minval=-sc1, maxval=sc1, dtype=jnp.float32),
        "br": jax.random.uniform(ks[6], (E,), minval=-sc1, maxval=sc1, dtype=jnp.float32),
    }


def reference(hidden_states, W1, b1, W2, b2, Wr, br):
    # router (nn.Linear): logits = x @ Wr + br
    router_logits = hidden_states @ Wr + br
    router_weights = jax.nn.softmax(router_logits, axis=-1)
    # top-k over softmaxed router weights, then renormalize
    top_k_weights, top_k_indices = jax.lax.top_k(router_weights, K)
    top_k_weights = top_k_weights / jnp.sum(top_k_weights, axis=-1, keepdims=True)
    # run every expert FFN (Linear -> GELU(exact) -> Linear) on all tokens
    h1 = jnp.einsum('bsh,ehi->ebsi', hidden_states, W1) + b1[:, None, None, :]
    h1 = jax.nn.gelu(h1, approximate=False)  # torch nn.GELU default is exact erf
    expert_out = jnp.einsum('ebsi,eih->ebsh', h1, W2) + b2[:, None, None, :]
    # combine: per-token weight on each selected expert (sum over the K slots,
    # identical math to the torch loop over num_activated_experts)
    onehot = jax.nn.one_hot(top_k_indices, E, dtype=hidden_states.dtype)  # [B,S,K,E]
    comb = jnp.sum(onehot * top_k_weights[..., None], axis=-2)  # [B,S,E]
    output = jnp.einsum('ebsh,bse->bsh', expert_out, comb)
    return output

if __name__ == "__main__":
    import jax
    _d = setup_inputs()
    print(jax.jit(kernel)(*tuple(_d.values())))

</pallas_src>

<mosaic_0001>
#map = affine_map<(d0, d1) -> (0, 0)>
#map1 = affine_map<(d0, d1) -> (0)>
module attributes {stable_mosaic.version = 14 : i64} {
  func.func @router(%arg0: i32, %arg1: i32, %arg2: memref<16x1024xf32, #tpu.memory_space<hbm>>, %arg3: memref<16384xf32, #tpu.memory_space<hbm>>, %arg4: memref<16xf32, #tpu.memory_space<hbm>>, %arg5: memref<16x16xf32, #tpu.memory_space<hbm>>, %arg6: memref<1024xf32, #tpu.memory_space<vmem>>, %arg7: memref<16384xf32, #tpu.memory_space<vmem>>, %arg8: memref<16xf32, #tpu.memory_space<vmem>>, %arg9: memref<16xf32, #tpu.memory_space<vmem>>, %arg10: memref<!tpu.dma_semaphore, #tpu.memory_space<semaphore_mem>>) attributes {dimension_semantics = [#tpu.dimension_semantics<core_parallel>, #tpu.dimension_semantics<subcore_parallel>], iteration_bounds = array<i64: 1, 2>, scalar_prefetch = 0 : i64, scratch_operands = 5 : i64, tpu.core_type = #tpu.core_type<sc_vector_subcore>, window_params = [{transform_indices = #map}, {transform_indices = #map1}, {transform_indices = #map1}, {transform_indices = #map}]} {
    %lt3A = arith.constant 16 : i32
    %lt3A_0 = arith.cmpi slt, %arg1, %lt3A : i32
    %convert_element_type3A = arith.extui %lt3A_0 : i1 to i32
    %cond3A = arith.constant 0 : i32
    %cond3A_1 = arith.cmpi ne, %convert_element_type3A, %cond3A : i32
    scf.if %cond3A_1 {
      "tpu.region"() ({
        %run_scoped3A = tpu.sem_alloc : memref<!tpu.dma_semaphore, #tpu.memory_space<semaphore_mem>>
        tpu.enqueue_dma source(%arg4 : memref<16xf32, #tpu.memory_space<hbm>>) target(%arg8 : memref<16xf32, #tpu.memory_space<vmem>>) target_semaphore(%run_scoped3A : memref<!tpu.dma_semaphore, #tpu.memory_space<semaphore_mem>>)
        tpu.wait_dma2 semaphore(%run_scoped3A : memref<!tpu.dma_semaphore, #tpu.memory_space<semaphore_mem>>) src(%arg4 : memref<16xf32, #tpu.memory_space<hbm>>) dst(%arg8 : memref<16xf32, #tpu.memory_space<vmem>>)
        tpu.yield
      }) : () -> ()
      %get3A = arith.constant 0 : index
      %get3A_2 = tpu.vector_load %arg8[%get3A] {strides = array<i32>} : memref<16xf32, #tpu.memory_space<vmem>>, vector<16xf32>,
      %swap3A = arith.constant 0 : index
      %swap3A_3 = tpu.vector_load %arg9[%swap3A] {strides = array<i32>} : memref<16xf32, #tpu.memory_space<vmem>>, vector<16xf32>,
      tpu.vector_store %arg9[%swap3A], %get3A_2 {strides = array<i32>} : memref<16xf32, #tpu.memory_space<vmem>>, vector<16xf32>,
      "tpu.region"() ({
        %run_scoped3A = tpu.sem_alloc : memref<!tpu.dma_semaphore, #tpu.memory_space<semaphore_mem>>
        %dma_start3A = arith.constant 0 : i32
        %dma_start3A_4 = tpu.memref_slice %arg5[%arg1, %dma_start3A] : memref<16x16xf32, #tpu.memory_space<hbm>> -> memref<1x16xf32, #tpu.memory_space<hbm>>
        %dma_start3A_5 = tpu.memref_squeeze %dma_start3A_4 : memref<1x16xf32, #tpu.memory_space<hbm>> -> memref<16xf32, #tpu.memory_space<hbm>>
        %dma_start3A_6 = arith.constant 0 : i32
        %dma_start3A_7 = tpu.memref_slice %arg5[%arg1, %dma_start3A_6] : memref<16x16xf32, #tpu.memory_space<hbm>> -> memref<1x16xf32, #tpu.memory_space<hbm>>
        %dma_start3A_8 = tpu.memref_squeeze %dma_start3A_7 : memref<1x16xf32, #tpu.memory_space<hbm>> -> memref<16xf32, #tpu.memory_space<hbm>>
        tpu.enqueue_dma source(%arg9 : memref<16xf32, #tpu.memory_space<vmem>>) target(%dma_start3A_8 : memref<16xf32, #tpu.memory_space<hbm>>) target_semaphore(%run_scoped3A : memref<!tpu.dma_semaphore, #tpu.memory_space<semaphore_mem>>)
        %dma_wait3A = arith.constant 0 : i32
        %dma_wait3A_9 = tpu.memref_slice %arg5[%arg1, %dma_wait3A] : memref<16x16xf32, #tpu.memory_space<hbm>> -> memref<1x16xf32, #tpu.memory_space<hbm>>
        %dma_wait3A_10 = tpu.memref_squeeze %dma_wait3A_9 : memref<1x16xf32, #tpu.memory_space<hbm>> -> memref<16xf32, #tpu.memory_space<hbm>>
        %dma_wait3A_11 = arith.constant 0 : i32
        %dma_wait3A_12 = tpu.memref_slice %arg5[%arg1, %dma_wait3A_11] : memref<16x16xf32, #tpu.memory_space<hbm>> -> memref<1x16xf32, #tpu.memory_space<hbm>>
        %dma_wait3A_13 = tpu.memref_squeeze %dma_wait3A_12 : memref<1x16xf32, #tpu.memory_space<hbm>> -> memref<16xf32, #tpu.memory_space<hbm>>
        tpu.wait_dma2 semaphore(%run_scoped3A : memref<!tpu.dma_semaphore, #tpu.memory_space<semaphore_mem>>) src(%arg9 : memref<16xf32, #tpu.memory_space<vmem>>) dst(%dma_wait3A_13 : memref<16xf32, #tpu.memory_space<hbm>>)
        tpu.yield
      }) : () -> ()
    } else {
    }
    return
  }
}

module attributes {stable_mosaic.version = 14 : i64} {
  func.func @_moe_body(%arg0: i32, %arg1: i32, %arg2: memref<16x1024xf32, #tpu.memory_space<vmem>>, %arg3: memref<16x16xf32, #tpu.memory_space<vmem>>, %arg4: memref<1x1024x1024xf32, #tpu.memory_space<vmem>>, %arg5: memref<1x1x1024xf32, #tpu.memory_space<vmem>>, %arg6: memref<1x1024x1024xf32, #tpu.memory_space<vmem>>, %arg7: memref<1x1x1024xf32, #tpu.memory_space<vmem>>, %arg8: memref<16x1024xf32, #tpu.memory_space<vmem>>) attributes {dimension_semantics = [#tpu.dimension_semantics<arbitrary>, #tpu.dimension_semantics<arbitrary>], iteration_bounds = array<i64: 16, 4>, scalar_prefetch = 0 : i64, scratch_operands = 0 : i64, tpu.core_type = #tpu.core_type<tc>, window_params = [{pipeline_mode = #tpu.pipeline_mode<synchronous>, transform_indices = @transform_0, window_bounds = array<i64: 16, 1024>}, {pipeline_mode = #tpu.pipeline_mode<synchronous>, transform_indices = @transform_1, window_bounds = array<i64: 16, 16>}, {transform_indices = @transform_2, window_bounds = array<i64: 1, 1024, 1024>}, {transform_indices = @transform_3, window_bounds = array<i64: 1, 1, 1024>}, {transform_indices = @transform_4, window_bounds = array<i64: 1, 1024, 1024>}, {transform_indices = @transform_5, window_bounds = array<i64: 1, 1, 1024>}, {pipeline_mode = #tpu.pipeline_mode<synchronous>, transform_indices = @transform_6, window_bounds = array<i64: 16, 1024>}]} {
    %get3A = arith.constant 0 : index
    %get3A_0 = arith.constant 0 : index
    %get3A_1 = vector.load %arg2[%get3A, %get3A_0] : memref<16x1024xf32, #tpu.memory_space<vmem>>, vector<16x1024xf32>
    %get3A_2 = arith.constant 0 : index
    %get3A_3 = arith.constant 0 : index
    %get3A_4 = arith.constant 0 : index
    %get3A_5 = vector.load %arg4[%get3A_2, %get3A_3, %get3A_4] : memref<1x1024x1024xf32, #tpu.memory_space<vmem>>, vector<1x1024x1024xf32>
    %get3A_6 = vector.shape_cast %get3A_5 : vector<1x1024x1024xf32> to vector<1024x1024xf32>
    %dot_general3A = arith.constant dense<0.000000e+00> : vector<16x1024xf32>
    %dot_general3A_7 = tpu.matmul %get3A_1, %get3A_6, %dot_general3A {dimension_numbers = #tpu.dot_dimension_numbers<[1], [0], [0], [1], [0, 0, 1, 1], [], []>, transpose_lhs_hint = false} : vector<16x1024xf32>, vector<1024x1024xf32>, vector<16x1024xf32> -> vector<16x1024xf32>
    %get3A_8 = arith.constant 0 : index
    %get3A_9 = arith.constant 0 : index
    %get3A_10 = arith.constant 0 : index
    %get3A_11 = vector.load %arg5[%get3A_8, %get3A_9, %get3A_10] : memref<1x1x1024xf32, #tpu.memory_space<vmem>>, vector<1x1x1024xf32>
    %get3A_12 = vector.shape_cast %get3A_11 : vector<1x1x1024xf32> to vector<1x1024xf32>
    %add3A = vector.broadcast %get3A_12 : vector<1x1024xf32> to vector<16x1024xf32>
    %add3A_13 = arith.addf %dot_general3A_7, %add3A : vector<16x1024xf32>
    %mul3A = arith.constant 5.000000e-01 : f32
    %mul3A_14 = vector.broadcast %mul3A : f32 to vector<16x1024xf32>
    %mul3A_15 = arith.mulf %add3A_13, %mul3A_14 : vector<16x1024xf32>
    %mul3A_16 = arith.constant 0.707106769 : f32
    %mul3A_17 = vector.broadcast %mul3A_16 : f32 to vector<16x1024xf32>
    %mul3A_18 = arith.mulf %add3A_13, %mul3A_17 : vector<16x1024xf32>
    %erf3A = math.erf %mul3A_18 : vector<16x1024xf32>
    %add3A_19 = arith.constant 1.000000e+00 : f32
    %add3A_20 = vector.broadcast %add3A_19 : f32 to vector<16x1024xf32>
    %add3A_21 = arith.addf %add3A_20, %erf3A : vector<16x1024xf32>
    %mul3A_22 = arith.mulf %mul3A_15, %add3A_21 : vector<16x1024xf32>
    %get3A_23 = arith.constant 0 : index
    %get3A_24 = arith.constant 0 : index
    %get3A_25 = arith.constant 0 : index
    %get3A_26 = vector.load %arg6[%get3A_23, %get3A_24, %get3A_25] : memref<1x1024x1024xf32, #tpu.memory_space<vmem>>, vector<1x1024x1024xf32>
    %get3A_27 = vector.shape_cast %get3A_26 : vector<1x1024x1024xf32> to vector<1024x1024xf32>
    %dot_general3A_28 = arith.constant dense<0.000000e+00> : vector<16x1024xf32>
    %dot_general3A_29 = tpu.matmul %mul3A_22, %get3A_27, %dot_general3A_28 {dimension_numbers = #tpu.dot_dimension_numbers<[1], [0], [0], [1], [0, 0, 1, 1], [], []>, transpose_lhs_hint = false} : vector<16x1024xf32>, vector<1024x1024xf32>, vector<16x1024xf32> -> vector<16x1024xf32>
    %iota3A = tpu.iota {dimensions = array<i32: 1>} : vector<16x16xi32>
    %eq3A = vector.broadcast %arg0 : i32 to vector<16x16xi32>
    %eq3A_30 = arith.cmpi eq, %iota3A, %eq3A : vector<16x16xi32>
    %get3A_31 = arith.constant 0 : index
    %get3A_32 = arith.constant 0 : index
    %get3A_33 = vector.load %arg3[%get3A_31, %get3A_32] : memref<16x16xf32, #tpu.memory_space<vmem>>, vector<16x16xf32>
    %jit3A = arith.constant 0.000000e+00 : f32
    %broadcast_in_dim3A = vector.broadcast %jit3A : f32 to vector<16x16xf32>
    %select_n3A = arith.select %eq3A_30, %get3A_33, %broadcast_in_dim3A : vector<16x16xi1>, vector<16x16xf32>
    %reduce_sum3A = arith.constant dense<0.000000e+00> : vector<16xf32>
    %reduce_sum3A_34 = vector.multi_reduction <add>, %select_n3A, %reduce_sum3A [1] : vector<16x16xf32> to vector<16xf32>
    %broadcast_in_dim3A_35 = vector.shape_cast %reduce_sum3A_34 : vector<16xf32> to vector<16x1xf32>
    %eq3A_36 = arith.constant 0 : i32
    %eq3A_37 = arith.cmpi eq, %arg1, %eq3A_36 : i32
    %get3A_38 = arith.constant 0 : index
    %get3A_39 = arith.constant 0 : index
    %get3A_40 = arith.constant 0 : index
    %get3A_41 = vector.load %arg7[%get3A_38, %get3A_39, %get3A_40] : memref<1x1x1024xf32, #tpu.memory_space<vmem>>, vector<1x1x1024xf32>
    %get3A_42 = vector.shape_cast %get3A_41 : vector<1x1x1024xf32> to vector<1x1024xf32>
    %jit3A_43 = arith.constant 0.000000e+00 : f32
    %broadcast_in_dim3A_44 = vector.broadcast %jit3A_43 : f32 to vector<1x1024xf32>
    %select_n3A_45 = arith.select %eq3A_37, %get3A_42, %broadcast_in_dim3A_44 : vector<1x1024xf32>
    %add3A_46 = vector.broadcast %select_n3A_45 : vector<1x1024xf32> to vector<16x1024xf32>
    %add3A_47 = arith.addf %dot_general3A_29, %add3A_46 : vector<16x1024xf32>
    %mul3A_48 = vector.broadcast %broadcast_in_dim3A_35 : vector<16x1xf32> to vector<16x1024xf32>
    %mul3A_49 = arith.mulf %mul3A_48, %add3A_47 : vector<16x1024xf32>
    %eq3A_50 = arith.constant 0 : i32
    %eq3A_51 = arith.cmpi eq, %arg0, %eq3A_50 : i32
    %eq3A_52 = arith.constant 0 : i32
    %eq3A_53 = arith.cmpi eq, %arg1, %eq3A_52 : i32
    %and3A = arith.andi %eq3A_51, %eq3A_53 : i1
    %get3A_54 = arith.constant 0 : index
    %get3A_55 = arith.constant 0 : index
    %get3A_56 = vector.load %arg8[%get3A_54, %get3A_55] : memref<16x1024xf32, #tpu.memory_space<vmem>>, vector<16x1024xf32>
    %jit3A_57 = arith.constant 0.000000e+00 : f32
    %broadcast_in_dim3A_58 = vector.broadcast %jit3A_57 : f32 to vector<16x1024xf32>
    %select_n3A_59 = arith.select %and3A, %broadcast_in_dim3A_58, %get3A_56 : vector<16x1024xf32>
    %add3A_60 = arith.addf %select_n3A_59, %mul3A_49 : vector<16x1024xf32>
    %swap3A = arith.constant 0 : index
    %swap3A_61 = arith.constant 0 : index
    %swap3A_62 = vector.load %arg8[%swap3A, %swap3A_61] : memref<16x1024xf32, #tpu.memory_space<vmem>>, vector<16x1024xf32>
    tpu.vector_store %arg8[%swap3A, %swap3A_61], %add3A_60 {strides = array<i32>} : memref<16x1024xf32, #tpu.memory_space<vmem>>, vector<16x1024xf32>,
    return
  }
  func.func @transform_0(%arg0: i32, %arg1: i32) -> (i32, i32) {
    %c0_i32 = arith.constant 0 : i32
    %c0_i32_0 = arith.constant 0 : i32
    %c0_i32_1 = arith.constant 0 : i32
    return %c0_i32, %c0_i32_0 : i32, i32
  }
  func.func @transform_1(%arg0: i32, %arg1: i32) -> (i32, i32) {
    %c0_i32 = arith.constant 0 : i32
    %c0_i32_0 = arith.constant 0 : i32
    %c0_i32_1 = arith.constant 0 : i32
    return %c0_i32, %c0_i32_0 : i32, i32
  }
  func.func @transform_2(%arg0: i32, %arg1: i32) -> (i32, i32, i32) {
    %c0_i32 = arith.constant 0 : i32
    %c0_i32_0 = arith.constant 0 : i32
    return %arg0, %c0_i32, %arg1 : i32, i32, i32
  }
  func.func @transform_3(%arg0: i32, %arg1: i32) -> (i32, i32, i32) {
    %c0_i32 = arith.constant 0 : i32
    %c0_i32_0 = arith.constant 0 : i32
    return %arg0, %c0_i32, %arg1 : i32, i32, i32
  }
  func.func @transform_4(%arg0: i32, %arg1: i32) -> (i32, i32, i32) {
    %c0_i32 = arith.constant 0 : i32
    %c0_i32_0 = arith.constant 0 : i32
    return %arg0, %arg1, %c0_i32 : i32, i32, i32
  }
  func.func @transform_5(%arg0: i32, %arg1: i32) -> (i32, i32, i32) {
    %c0_i32 = arith.constant 0 : i32
    %c0_i32_0 = arith.constant 0 : i32
    %c0_i32_1 = arith.constant 0 : i32
    return %arg0, %c0_i32, %c0_i32_0 : i32, i32, i32
  }
  func.func @transform_6(%arg0: i32, %arg1: i32) -> (i32, i32) {
    %c0_i32 = arith.constant 0 : i32
    %c0_i32_0 = arith.constant 0 : i32
    %c0_i32_1 = arith.constant 0 : i32
    return %c0_i32, %c0_i32_0 : i32, i32
  }
}

</mosaic_0001>

<sc_bundles>
// kernel: kernel.4.cloned.1.call-start
scs
__scs_entry_jumppad:
0x0: {  	(pc) =	sbr.rel $0x88, $3  }
0x1: {  	(tag) =	ssettag $0x0;
	lr =	simm.s32 $0x1  }
0x2: {  	[smem:$0x3F9A] =	sst lr;
	_ =	strace $0xD0000000  }
0x3: {  	_ = 	snop  }
0x4: {  	_ = 	snop  }
0x5: {  	_ = 	snop  }
0x6: {  	_ = 	snop  }
0x7: {  	_ = 	snop  }
__scs_overlays_trampoline_lowered:
0x8: {  	[smem:$0x3FA9] =	sst s0  }
0x9: {  	[smem:$0x3FAA] =	sst s1  }
0xa: {  	[smem:$0x3FAB] =	sst s2  }
0xb: {  	[smem:$0x3FAC] =	sst s3  }
0xc: {  	[smem:$0x3FAD] =	sst s4  }
0xd: {  	[smem:$0x3FAE] =	sst s5  }
0xe: {  	[smem:$0x3FAF] =	sst s6  }
0xf: {  	[smem:$0x3FB0] =	sst s7  }
0x10: {  	[smem:$0x3FB1] =	sst s8  }
0x11: {  	[smem:$0x3FB2] =	sst s9;
	s0 =	simm.s32 @!p0 $0x0  }
0x12: {  	s1 =	sld [smem:$0x3F98];
	s0 =	simm.s32 @p0 $0x1  }
0x13: {  	[smem:$0x3FB3] =	sst s0;
	s0 =	simm.s32 @!p1 $0x0  }
0x14: {  	s2 =	sld [smem:$0x3F97];
	s0 =	simm.s32 @p1 $0x1  }
0x15: {  	[smem:$0x3FB4] =	sst s0;
	s0 =	simm.s32 @!p2 $0x0  }
0x16: {  	s3 =	sld [smem:$0x3FDB];
	s0 =	simm.s32 @p2 $0x1  }
0x17: {  	s4 =	simm.s32 $0x1BF5;
	[smem:$0x3FB6] =	sst s0  }
0x18: {  	s0 =	sld [smem:$0x3F99];
	_ =	swait.ge [sflag:s4], $0x0  }
0x19: {  	s7 =	sld [smem:$0x3F9A]  }
0x1a: {  	s8 =	sadd.s32 $0xFFFFE003, lr  }
0x1b: {  	s9 =	sadd.s32 $0xFFFFFEF7, lr;
	s5 =	simm.s32 $0xFFFFFFFF;
	p2 =	slt.u32 s8, $0xFFFFF086  }
0x1c: {  	p1 =	slt.u32 s9, $0xF7A;
	s5 =	simm.s32 @!p2 $0x0  }
0x1d: {  	s5 =	simm.s32 @p1 $0x1;
	p0 =	seq.s32 s7, s2  }
0x1e: {  	s7 =	smul.u32 @!p0 $0xF7A, s2;
	p2 =	seq.s32 @!p0 s5, $0x0  }
0x1f: {  	s9 =	smul.u32 $0xF7A, s1;
	s8 =	simm.s32 @!p0 $0x1BF5;
	p2 =	por !p2, p0  }
0x20: {  	[sflag:s8] =	ssyncset.s32 @!p0 $0xFFFFF086;
	s6 =	sadd.s32 @!p0 s3, s7;
	s7 =	simm.s32 @!p0 $0x108  }
0x21: {  	s3 =	sadd.s32 s3, s9;
	s6 =	sadd.s32 @!p0 $0x88, s6;
	s7 =	simm.s32 @p2 $0x1082  }
0x22: {  	[simem:s7], [sflag:s8] =	dma.local @!p0 [hbm:s6], $0xF7A  }
0x23: {  	s9 =	sor.u32 $0xD0000000, s2;
	s6 =	simm.s32 $0x108;
	_ =	swait.ge @!p0 [sflag:s8], $0x0  }
0x24: {  	s3 =	sadd.s32 $0x88, s3;
	s6 =	simm.s32 @!p1 $0x1082;
	[sflag:s4] =	ssyncset.s32 $0xFFFFF086  }
0x25: {  	[simem:s6], [sflag:s4] =	dma.local [hbm:s3], $0xF7A  }
0x26: {  	[smem:$0x3F9A] =	sst s1;
	(tag) =	ssettag s2;
	_ =	strace s9  }
0x27: {  	s1 =	sld [smem:$0x3FAA]  }
0x28: {  	s2 =	sld [smem:$0x3FAB]  }
0x29: {  	s4 =	sld [smem:$0x3FAD]  }
0x2a: {  	p0 =	seq.s32 s5, $0x0;
	s5 =	sld [smem:$0x3FAE]  }
0x2b: {  	s6 =	sld [smem:$0x3FAF]  }
0x2c: {  	s7 =	sld [smem:$0x3FB0]  }
0x2d: {  	s3 =	simm.s32 $0x108;
	s8 =	sld [smem:$0x3FB1]  }
0x2e: {  	s3 =	simm.s32 @!p0 $0x1082;
	s9 =	sld [smem:$0x3FB2]  }
0x2f: {  	lr =	sadd.s32 s0, s3;
	s0 =	sld [smem:$0x3FA9]  }
0x30: {  	s3 =	sld [smem:$0x3FAC]  }
0x31: {  	[smem:$0x3FB5] =	sst s10  }
0x32: {  	s10 =	sld [smem:$0x3FB3];
	_ =	sdelay $0x3  }
0x33: {  	p0 =	seq.s32 s10, $0x1;
	s10 =	sld [smem:$0x3FB5];
	_ =	sdelay $0x3  }
0x34: {  	[smem:$0x3FB5] =	sst s10  }
0x35: {  	s10 =	sld [smem:$0x3FB4];
	_ =	sdelay $0x3  }
0x36: {  	p1 =	seq.s32 s10, $0x1;
	s10 =	sld [smem:$0x3FB5];
	_ =	sdelay $0x3  }
0x37: {  	[smem:$0x3FB5] =	sst s10  }
0x38: {  	s10 =	sld [smem:$0x3FB6]  }
0x39: {  	_ = 	snop;
	(pc) =	sbr.ind lr, $3  }
0x3a: {  	_ = 	snop  }
0x3b: {  	_ = 	snop  }
0x3c: {  	p2 =	seq.s32 s10, $0x1;
	s10 =	sld [smem:$0x3FB5]  }
0x3d: {  	_ =	shalt  }
0x3e: {  	_ =	shalt  }
0x3f: {  	_ =	shalt  }
0x40: {  	_ =	shalt  }
0x41: {  	_ =	shalt  }
0x42: {  	_ =	shalt  }
0x43: {  	_ =	shalt  }
0x44: {  	_ =	shalt  }
0x45: {  	_ =	shalt  }
0x46: {  	_ =	shalt  }
0x47: {  	_ =	shalt  }
0x48: {  	_ =	shalt  }
0x49: {  	_ =	shalt  }
0x4a: {  	_ =	shalt  }
0x4b: {  	_ =	shalt  }
0x4c: {  	_ =	shalt  }
0x4d: {  	_ =	shalt  }
0x4e: {  	_ =	shalt  }
0x4f: {  	_ =	shalt  }
0x50: {  	_ =	shalt  }
0x51: {  	_ =	shalt  }
0x52: {  	_ =	shalt  }
0x53: {  	_ =	shalt  }
0x54: {  	_ =	shalt  }
0x55: {  	_ =	shalt  }
0x56: {  	_ =	shalt  }
0x57: {  	_ =	shalt  }
0x58: {  	_ =	shalt  }
0x59: {  	_ =	shalt  }
0x5a: {  	_ =	shalt  }
0x5b: {  	_ =	shalt  }
0x5c: {  	_ =	shalt  }
0x5d: {  	_ =	shalt  }
0x5e: {  	_ =	shalt  }
0x5f: {  	_ =	shalt  }
0x60: {  	_ =	shalt  }
0x61: {  	_ =	shalt  }
0x62: {  	_ =	shalt  }
0x63: {  	_ =	shalt  }
0x64: {  	_ =	shalt  }
0x65: {  	_ =	shalt  }
0x66: {  	_ =	shalt  }
0x67: {  	_ =	shalt  }
0x68: {  	_ =	shalt  }
0x69: {  	_ =	shalt  }
0x6a: {  	_ =	shalt  }
0x6b: {  	_ =	shalt  }
0x6c: {  	_ =	shalt  }
0x6d: {  	_ =	shalt  }
0x6e: {  	_ =	shalt  }
0x6f: {  	_ =	shalt  }
0x70: {  	_ =	shalt  }
0x71: {  	_ =	shalt  }
0x72: {  	_ =	shalt  }
0x73: {  	_ =	shalt  }
0x74: {  	_ =	shalt  }
0x75: {  	_ =	shalt  }
0x76: {  	_ =	shalt  }
0x77: {  	_ =	shalt  }
0x78: {  	_ =	shalt  }
0x79: {  	_ =	shalt  }
0x7a: {  	_ =	shalt  }
0x7b: {  	_ =	shalt  }
0x7c: {  	_ =	shalt  }
0x7d: {  	_ =	shalt  }
0x7e: {  	_ =	shalt  }
0x7f: {  	_ =	shalt  }
0x80: {  	_ =	shalt  }
0x81: {  	_ =	shalt  }
0x82: {  	_ =	shalt  }
0x83: {  	_ =	shalt  }
0x84: {  	_ =	shalt  }
0x85: {  	_ =	shalt  }
0x86: {  	_ =	shalt  }
0x87: {  	_ =	shalt  }
.Lfunc_end0:
.L_simem_size_0:
called_computation_lowered:
.L_overlay_start_0:
0x88: {  	s0 =	sld [smem:$0x3FD9]  }
0x89: {  	s1 =	sld [smem:$0x3FFE];
	_ =	sdelay $0x3  }
0x8a: {  	s0 =	sadd.s32 s1, s0  }
0x8b: {  	[smem:$0x3FC1] =	sst s0  }
0x8c: {  	_ = 	snop  }
0x8d: {  	s0 =	sld [smem:$0x3FC3];
	(tm) =	ssettm $0x1  }
0x8e: {  	s16 =	sld [smem:$0x3FFB];
	_ =	sdelay $0x3  }
0x8f: {  	_ =	strace s16  }
0x90: {  	s1 =	sld [smem:$0x3FFC];
	_ =	sdelay $0x3  }
0x91: {  	_ =	strace s1  }
0x92: {  	s1 =	sld [smem:$0x3FFD];
	_ =	sdelay $0x3  }
0x93: {  	_ =	strace s1  }
0x94: {  	_ =	strace $0x8FFFFFFF  }
0x95: {  	s17 =	sld [smem:$0x3FDB];
	_ =	sdelay $0x1  }
0x96: {  	s2 =	simm.s32 $_scs_section_size  }
0x97: {  	s3 =	simm.s32 $_size__tile_overlayer_lowered;
	s4 =	simm.s32 $_tile_overlayer_lowered  }
0x98: {  	s20 =	simm.s32 $0x1BFF;
	s19 =	sshll.u32 s4, $0x1;
	s1 =	sadd.s32 s2, s17  }
0x99: {  	s5 =	simm.s32 $0x0;
	s18 =	sshll.u32 s3, $0x1;
	s3 =	sadd.s32 s19, s1  }
0x9a: {  	[timem:s5], [sflag:s20] =	dma.local [hbm:s3], s18  }
0x9b: {  	_ =	swait.ge [sflag:s20], s18  }
0x9c: {  	s2 =	ssub.s32 $0x0, s18;
	[sflag:s20] =	ssyncset.done $0x0  }
0x9d: {  	[sflag:s20] =	ssyncadd.s32 s2;
	_ =	sdelay $0x1  }
0x9e: {  	s21 =	simm.s32 $0x1B8B  }
0x9f: {  	_ =	swait.ge [sflag:s21], $0x1  }
0xa0: {  	[sflag:s21] =	ssyncset.done $0x0  }
0xa1: {  	s23 =	simm.s32 $0x1B8E;
	s22 =	sld [smem:$0x3FFE];
	[sflag:s21] =	ssyncadd.s32 $0xFFFFFFFF  }
0xa2: {  	s24 =	simm.s32 $execute0_lowered;
	[smem:$0x3FD2] =	sst s23  }
0xa3: {  	s3 =	sshll.u32 s24, $0x1;
	_ =	strace $0x80000046;
	[dreg:$0x1] =	wrdreg $0xFFFFFFFF  }
0xa4: {  	s25 =	simm.s32 $_size_execute0_lowered;
	s1 =	sadd.s32 s1, s3;
	[dreg:$0x0] =	wrdreg $0x0  }
0xa5: {  	s3 =	sshll.u32 s25, $0x1;
	[dreg:$0x2] =	wrdreg s1  }
0xa6: {  	[dreg:$0x3] =	wrdreg s3  }
0xa7: {  	[dreg:$0x4] =	wrdreg $0xC0  }
0xa8: {  	_ =	task [dreg:s5], $0x5FFFF  }
0xa9: {  	[dreg:$0x1] =	wrdreg $0xFFFFFFFF  }
0xaa: {  	[dreg:$0x0] =	wrdreg $0x60  }
0xab: {  	[dreg:$0x2] =	wrdreg s0  }
0xac: {  	[dreg:$0x3] =	wrdreg s22  }
0xad: {  	[dreg:$0x4] =	wrdreg $0x9  }
0xae: {  	_ =	task.clear_ibuf [dreg:s5], $0x5FFFF;
	_ =	strace $0x90000046  }
0xaf: {  	s26 =	simm.s32 $0x9;
	_ =	strace $0x80000048  }
0xb0: {  	_ =	swait.ge [sflag:s26], $0x1  }
0xb1: {  	[sflag:s26] =	ssyncadd.s32 $0xFFFFFFFF  }
0xb2: {  	_ =	strace $0x90000048  }
0xb3: {  	_ =	sfence  }
0xb4: {  	s28 =	sld [smem:$0x0];
	_ =	sdelay $0x1  }
0xb5: {  	s29 =	srdreg.scid  }
0xb6: {  	s30 =	sshll.u32 s29, $0xD;
	s31 =	sshrl.u32 s29, $0x2  }
0xb7: {  	s2 =	sand.u32 $0x4000, s30;
	s1 =	sand.u32 $0x1, s29;
	s0 =	sadd.s32 s31, s28  }
0xb8: {  	s1 =	sor.u32 s2, s1;
	s0 =	sshll.u32 s0, $0x11  }
0xb9: {  	s0 =	sor.u32 s0, s1  }
0xba: {  	s0 =	sadd.s32 $0x8F2B, s0  }
0xbb: {  	[sflag:s0] =	ssyncadd.remote.s32 $0x1  }
0xbc: {  	_ =	sfence.sel $0xFFFF  }
0xbd: {  	[dreg:$0x0] =	wrdreg $0xFFFFFFFF;
	(pc) =	sbr.abs _section_cstart, $3  }
0xbe: {  	[dreg:$0x1] =	wrdreg $0xFFFFFFFF  }
0xbf: {  	_ =	task.clear_ibuf [dreg:s5], $0x2FFFF;
	_ =	strace $0x9FFFFFFF  }
0xc0: {  	(tm) =	ssettm $0x7FFFFFFF  }
0xc1: {  	_ =	shalt  }
tec
execute0_lowered:
.L_overlay_start_1:
0x0: {  	(tag) =	ssettag $0x1  }
0x1: {  	s0 =	rddreg [dreg:$0x0]  }
0x2: {  	s1 =	rddreg [dreg:$0x1];
	s3 =	simm.s32 $0x0;
	s4 =	stileid.u32  }
0x3: {  	[smem:$0x7FF] =	sst s3;
	p0 =	sgt.u32 s4, $0x1  }
0x4: {  	s2 =	rddreg [dreg:$0x2];
	_ =	strace $0x80000047;
	s3 =	simm.s32 @!p0 $0x0  }
0x5: {  	[tilespmem:s3], [sflag:$0x1] =	stream.linear.gather @!p0 [hbm4b:s0+s3], $0x80, $0x38;
	[tilespmem:$0x100] =	vst v63  }
0x6: {  	s0 =	simm.s32 @!p0 $0x1  }
0x7: {  	_ =	swait.ge @!p0 [sflag:s0], $0x80  }
0x8: {  	[sflag:s0] =	ssyncset.done @!p0 $0x0  }
0x9: {  	[sflag:s0] =	ssyncadd.s32 @!p0 $0xFFFFFF80  }
0xa: {  	v0 =	vld @!p0 [tilespmem:$0x0];
	_ =	sdelay $0x3  }
0xb: {  	s1 =	sadd.s32 $0x1000, s1;
	s5 =	sshll.u32 @!p0 s4, $0x4  }
0xc: {  	s1 =	sadd.s32 @!p0 s1, s5;
	s5 =	simm.s32 @!p0 $0x80;
	[tilespmem:$0x80] =	vst @!p0 v0  }
0xd: {  	[hbm4b:s1+s3] =	stream.linear.scatter @!p0 [tilespmem:s5], [sflag:$0x1], $0x80, $0x38;
	[tilespmem:$0x100] =	vst v63  }
0xe: {  	_ =	swait.ge @!p0 [sflag:s0], $0x80  }
0xf: {  	[sflag:s0] =	ssyncset.done @!p0 $0x0  }
0x10: {  	[sflag:s0] =	ssyncadd.s32 @!p0 $0xFFFFFF80  }
0x11: {  	_ =	sfence.sel $0x180000  }
0x12: {  	[bflag:$0x0] =	sbarrier.arrive $0xFFFF  }
0x13: {  	p0 =	sne.s32 s4, $0x0;
	_ =	strace $0x90000047  }
0x14: {  	s0 =	sadd.s32 @!p0 $0x100000, s2;
	[bflag:$0x2] =	sbarrier.arrive $0xFFFF  }
0x15: {  	[sflag:s0] =	ssyncadd.tile.s32 @!p0 $0x1;
	_ =	shalt  }
.Lfunc_end2:
_tile_overlayer_lowered:
.L_overlay_start_2:
0x16: {  	(tag) =	ssettag $0x2  }
0x17: {  	s0 =	rddreg [dreg:$0x0];
	s2 =	stileid.u32  }
0x18: {  	s1 =	rddreg [dreg:$0x1];
	p0 =	sne.s32 s2, $0x0  }
0x19: {  	s3 =	rddreg [dreg:$0x2];
	[bflag:$0x3] =	sbarrier.arrive $0xFFFF;
	s2 =	simm.s32 @!p0 $0x1C01  }
0x1a: {  	[timem:s3], [sflag:s2] =	dma.local @!p0 [hbm:s0], s1  }
0x1b: {  	s0 =	simm.s32 @!p0 $0x1  }
0x1c: {  	_ =	swait.ge @!p0 [sflag:s0], s1  }
0x1d: {  	s1 =	ssub.s32 @!p0 $0x0, s1;
	[sflag:s0] =	ssyncset.done @!p0 $0x0  }
0x1e: {  	[sflag:s0] =	ssyncadd.s32 @!p0 s1  }
0x1f: {  	[bflag:$0x3] =	sbarrier.arrive $0xFFFF  }
0x20: {  	_ =	shalt  }

</sc_bundles>
